<compile_context>
chip_gen: v7x
topology: tpu7x:2x2x1
jax: 0.10.2.dev20260603
libtpu: 0.0.44.dev20260713+nightly
codegen_flags: <defaults>
</compile_context>

<pallas_src>
import functools

import jax
import jax.numpy as jnp
from jax import lax
from jax.experimental import pallas as pl
from jax.experimental.pallas import tpu as pltpu
from jax.experimental.pallas import tpu_sc as plsc

V = 1000
N_TOK = 51200
NC, NS, L = 2, 16, 16
NW = NC * NS
BPW = N_TOK // NW
W = 32
NCHUNK = BPW // W
LSE_PAD = 1024


def _lse_body(t_ref, o_ref):
    x = t_ref[...]
    m = jnp.max(x, axis=1)
    s = jnp.sum(jnp.exp(x - m[:, None]), axis=1)
    o_ref[pl.ds(0, V)] = m + jnp.log(s)


def _row_logsumexp(table):
    return pl.pallas_call(
        _lse_body,
        out_shape=jax.ShapeDtypeStruct((LSE_PAD,), jnp.float32),
    )(table)


def _sc_body(table_h, idx_h, tgt_h, lse_h, out_h, part_h,
             idx_v, tgt_v, lse_v, rows_v, acc_v, sem):
    wid = lax.axis_index("s") * NC + lax.axis_index("c")
    base = wid * BPW
    pltpu.sync_copy(idx_h.at[pl.ds(base, BPW)], idx_v)
    pltpu.sync_copy(tgt_h.at[pl.ds(base, BPW)], tgt_v)
    pltpu.sync_copy(lse_h, lse_v)

    def chunk(ci, acc):
        off = ci * W
        pltpu.async_copy(table_h.at[idx_v.at[pl.ds(off, W)]], rows_v, sem).wait()
        pltpu.sync_copy(rows_v, out_h.at[pl.ds(base + off, W)])
        for j in range(W // L):
            row_ids = lax.iota(jnp.int32, L) + (j * L)
            tg = tgt_v[pl.ds(off + j * L, L)]
            ii = idx_v[pl.ds(off + j * L, L)]
            picked = plsc.load_gather(rows_v, [row_ids, tg])
            lse16 = plsc.load_gather(lse_v, [ii])
            acc = acc + (lse16 - picked)
        return acc

    acc = lax.fori_loop(0, NCHUNK, chunk, jnp.zeros((L,), jnp.float32))
    acc_v[...] = acc
    pltpu.sync_copy(acc_v, part_h.at[wid])


@functools.partial(jax.jit, static_argnames=())
def _sc_gather_loss(table, flat_idx, flat_tgt, lse):
    mesh = plsc.VectorSubcoreMesh(core_axis_name="c", subcore_axis_name="s")
    f = functools.partial(
        pl.kernel,
        mesh=mesh,
        compiler_params=pltpu.CompilerParams(
            use_tc_tiling_on_sc=False, needs_layout_passes=False),
        out_type=[
            jax.ShapeDtypeStruct((N_TOK, V), jnp.float32),
            jax.ShapeDtypeStruct((NW, L), jnp.float32),
        ],
        scratch_types=[
            pltpu.VMEM((BPW,), jnp.int32),
            pltpu.VMEM((BPW,), jnp.int32),
            pltpu.VMEM((LSE_PAD,), jnp.float32),
            pltpu.VMEM((W, V), jnp.float32),
            pltpu.VMEM((L,), jnp.float32),
            pltpu.SemaphoreType.DMA,
        ],
    )(_sc_body)
    return f(table, flat_idx, flat_tgt, lse)


def kernel(inputs, targets, table):
    flat_idx = inputs.reshape(-1).astype(jnp.int32)
    flat_tgt = targets.reshape(-1).astype(jnp.int32)
    lse = _row_logsumexp(table)
    logits2, part = _sc_gather_loss(table, flat_idx, flat_tgt, lse)
    loss = jnp.sum(part) / jnp.float32(N_TOK)
    return logits2, loss

# --- scband reference (transcript-rebuilt; emitter-appended) ---
"""Pipeline reference for scband-bigram-language-model-3023656976456 (READ-ONLY COPY).

The authoritative reference and input builder live on the scoring server;
editing this copy changes nothing except your own understanding.
"""

import jax, jax.numpy as jnp
import numpy as np

VOCAB = 1000
B, T = 1024, 50

def setup_inputs(seed: int = 0):
    key = jax.random.key(seed)
    k1, k2, k3 = jax.random.split(key, 3)
    inputs = jax.random.randint(k1, (B, T), 0, VOCAB)
    targets = jax.random.randint(k2, (B, T), 0, VOCAB)
    # Embedding table: input_dim=vocab, output_dim=vocab (bigram LM -> logits directly)
    table = jax.random.normal(k3, (VOCAB, VOCAB), dtype=jnp.float32) * 0.05
    return {"inputs": inputs, "targets": targets, "table": table}

def reference(inputs, targets, table):
    # logits = token_embedding_table(inputs) : gather rows of the table
    logits = jnp.take(table, inputs, axis=0)            # [B, T, C]
    C = table.shape[1]
    logits2 = logits.reshape(-1, C)                     # [B*T, C]
    tg = targets.reshape(-1)                            # [B*T]
    # SparseCategoricalCrossentropy(from_logits=True), mean reduction
    logp = jax.nn.log_softmax(logits2, axis=-1)
    nll = -jnp.take_along_axis(logp, tg[:, None], axis=1)[:, 0]
    loss = jnp.mean(nll)
    return logits2, loss

if False:  # reference __main__ guard neutralized (emitter)
    out = reference(**setup_inputs())
    print(out[0].shape, out[1])

if __name__ == "__main__":
    import jax
    _d = setup_inputs()
    print(jax.jit(kernel)(*tuple(_d.values())))

</pallas_src>

<mosaic_0001>
#map = affine_map<(d0, d1) -> (0, 0)>
#map1 = affine_map<(d0, d1) -> (0)>
module attributes {stable_mosaic.version = 14 : i64} {
  func.func @_sc_body(%arg0: i32, %arg1: i32, %arg2: memref<1000x1000xf32, #tpu.memory_space<hbm>>, %arg3: memref<51200xi32, #tpu.memory_space<hbm>>, %arg4: memref<51200xi32, #tpu.memory_space<hbm>>, %arg5: memref<1024xf32, #tpu.memory_space<hbm>>, %arg6: memref<51200x1000xf32, #tpu.memory_space<hbm>>, %arg7: memref<32x16xf32, #tpu.memory_space<hbm>>, %arg8: memref<1600xi32, #tpu.memory_space<vmem>>, %arg9: memref<1600xi32, #tpu.memory_space<vmem>>, %arg10: memref<1024xf32, #tpu.memory_space<vmem>>, %arg11: memref<32x1000xf32, #tpu.memory_space<vmem>>, %arg12: memref<16xf32, #tpu.memory_space<vmem>>, %arg13: memref<!tpu.dma_semaphore, #tpu.memory_space<semaphore_mem>>) attributes {dimension_semantics = [#tpu.dimension_semantics<core_parallel>, #tpu.dimension_semantics<subcore_parallel>], iteration_bounds = array<i64: 2, 16>, scalar_prefetch = 0 : i64, scratch_operands = 6 : i64, tpu.core_type = #tpu.core_type<sc_vector_subcore>, window_params = [{transform_indices = #map}, {transform_indices = #map1}, {transform_indices = #map1}, {transform_indices = #map1}, {transform_indices = #map}, {transform_indices = #map}]} {
    %mul3A = arith.constant 2 : i32
    %mul3A_0 = arith.muli %arg1, %mul3A : i32
    %add3A = arith.addi %mul3A_0, %arg0 : i32
    %mul3A_1 = arith.constant 1600 : i32
    %mul3A_2 = arith.muli %add3A, %mul3A_1 : i32
    "tpu.region"() ({
      %run_scoped3A = tpu.sem_alloc : memref<!tpu.dma_semaphore, #tpu.memory_space<semaphore_mem>>
      %dma_start3A = tpu.memref_slice %arg3[%mul3A_2] : memref<51200xi32, #tpu.memory_space<hbm>> -> memref<1600xi32, #tpu.memory_space<hbm>>
      %dma_start3A_10 = tpu.memref_slice %arg3[%mul3A_2] : memref<51200xi32, #tpu.memory_space<hbm>> -> memref<1600xi32, #tpu.memory_space<hbm>>
      tpu.enqueue_dma source(%dma_start3A_10 : memref<1600xi32, #tpu.memory_space<hbm>>) target(%arg8 : memref<1600xi32, #tpu.memory_space<vmem>>) target_semaphore(%run_scoped3A : memref<!tpu.dma_semaphore, #tpu.memory_space<semaphore_mem>>)
      %dma_wait3A = tpu.memref_slice %arg3[%mul3A_2] : memref<51200xi32, #tpu.memory_space<hbm>> -> memref<1600xi32, #tpu.memory_space<hbm>>
      %dma_wait3A_11 = tpu.memref_slice %arg3[%mul3A_2] : memref<51200xi32, #tpu.memory_space<hbm>> -> memref<1600xi32, #tpu.memory_space<hbm>>
      tpu.wait_dma2 semaphore(%run_scoped3A : memref<!tpu.dma_semaphore, #tpu.memory_space<semaphore_mem>>) src(%dma_wait3A_11 : memref<1600xi32, #tpu.memory_space<hbm>>) dst(%arg8 : memref<1600xi32, #tpu.memory_space<vmem>>)
      tpu.yield
    }) : () -> ()
    "tpu.region"() ({
      %run_scoped3A = tpu.sem_alloc : memref<!tpu.dma_semaphore, #tpu.memory_space<semaphore_mem>>
      %dma_start3A = tpu.memref_slice %arg4[%mul3A_2] : memref<51200xi32, #tpu.memory_space<hbm>> -> memref<1600xi32, #tpu.memory_space<hbm>>
      %dma_start3A_10 = tpu.memref_slice %arg4[%mul3A_2] : memref<51200xi32, #tpu.memory_space<hbm>> -> memref<1600xi32, #tpu.memory_space<hbm>>
      tpu.enqueue_dma source(%dma_start3A_10 : memref<1600xi32, #tpu.memory_space<hbm>>) target(%arg9 : memref<1600xi32, #tpu.memory_space<vmem>>) target_semaphore(%run_scoped3A : memref<!tpu.dma_semaphore, #tpu.memory_space<semaphore_mem>>)
      %dma_wait3A = tpu.memref_slice %arg4[%mul3A_2] : memref<51200xi32, #tpu.memory_space<hbm>> -> memref<1600xi32, #tpu.memory_space<hbm>>
      %dma_wait3A_11 = tpu.memref_slice %arg4[%mul3A_2] : memref<51200xi32, #tpu.memory_space<hbm>> -> memref<1600xi32, #tpu.memory_space<hbm>>
      tpu.wait_dma2 semaphore(%run_scoped3A : memref<!tpu.dma_semaphore, #tpu.memory_space<semaphore_mem>>) src(%dma_wait3A_11 : memref<1600xi32, #tpu.memory_space<hbm>>) dst(%arg9 : memref<1600xi32, #tpu.memory_space<vmem>>)
      tpu.yield
    }) : () -> ()
    "tpu.region"() ({
      %run_scoped3A = tpu.sem_alloc : memref<!tpu.dma_semaphore, #tpu.memory_space<semaphore_mem>>
      tpu.enqueue_dma source(%arg5 : memref<1024xf32, #tpu.memory_space<hbm>>) target(%arg10 : memref<1024xf32, #tpu.memory_space<vmem>>) target_semaphore(%run_scoped3A : memref<!tpu.dma_semaphore, #tpu.memory_space<semaphore_mem>>)
      tpu.wait_dma2 semaphore(%run_scoped3A : memref<!tpu.dma_semaphore, #tpu.memory_space<semaphore_mem>>) src(%arg5 : memref<1024xf32, #tpu.memory_space<hbm>>) dst(%arg10 : memref<1024xf32, #tpu.memory_space<vmem>>)
      tpu.yield
    }) : () -> ()
    %broadcast_in_dim3A = arith.constant 0.000000e+00 : f32
    %broadcast_in_dim3A_3 = vector.broadcast %broadcast_in_dim3A : f32 to vector<16xf32>
    %scan3A = arith.constant 0 : i32
    %scan3A_4 = arith.constant 50 : i32
    %scan3A_5 = arith.addi %scan3A, %scan3A_4 : i32
    %scan3A_6 = arith.constant 1 : i32
    %scan3A_7 = scf.for %scan3A_10 = %scan3A to %scan3A_5 step %scan3A_6 iter_args(%scan3A_11 = %broadcast_in_dim3A_3) -> (vector<16xf32>)  : i32 {
      %mul3A_12 = arith.constant 32 : i32
      %mul3A_13 = arith.muli %scan3A_10, %mul3A_12 : i32
      %dma_start3A = tpu.memref_slice %arg8[%mul3A_13] : memref<1600xi32, #tpu.memory_space<vmem>> -> memref<32xi32, #tpu.memory_space<vmem>>
      %dma_start3A_14 = arith.constant 0 : i32
      %dma_start3A_15 = arith.constant 0 : i32
      %dma_start3A_16 = tpu.memref_slice %arg2[%dma_start3A_14, %dma_start3A_15] : memref<1000x1000xf32, #tpu.memory_space<hbm>> -> memref<1000x1000xf32, #tpu.memory_space<hbm>>
      tpu.enqueue_indirect_dma source(%dma_start3A_16 : memref<1000x1000xf32, #tpu.memory_space<hbm>>) target(%arg11 : memref<32x1000xf32, #tpu.memory_space<vmem>>) offsets(%dma_start3A : memref<32xi32, #tpu.memory_space<vmem>>) semaphore(%arg13 : memref<!tpu.dma_semaphore, #tpu.memory_space<semaphore_mem>>)
      %dma_wait3A = tpu.memref_slice %arg8[%mul3A_13] : memref<1600xi32, #tpu.memory_space<vmem>> -> memref<32xi32, #tpu.memory_space<vmem>>
      %dma_wait3A_17 = arith.constant 0 : i32
      %dma_wait3A_18 = arith.constant 0 : i32
      %dma_wait3A_19 = tpu.memref_slice %arg2[%dma_wait3A_17, %dma_wait3A_18] : memref<1000x1000xf32, #tpu.memory_space<hbm>> -> memref<1000x1000xf32, #tpu.memory_space<hbm>>
      tpu.wait_indirect_dma semaphore(%arg13 : memref<!tpu.dma_semaphore, #tpu.memory_space<semaphore_mem>>) src(%dma_wait3A_19 : memref<1000x1000xf32, #tpu.memory_space<hbm>>) dst(%arg11 : memref<32x1000xf32, #tpu.memory_space<vmem>>)
      %add3A_20 = arith.addi %mul3A_2, %mul3A_13 : i32
      "tpu.region"() ({
        %run_scoped3A = tpu.sem_alloc : memref<!tpu.dma_semaphore, #tpu.memory_space<semaphore_mem>>
        %dma_start3A_49 = arith.constant 0 : i32
        %dma_start3A_50 = tpu.memref_slice %arg6[%add3A_20, %dma_start3A_49] : memref<51200x1000xf32, #tpu.memory_space<hbm>> -> memref<32x1000xf32, #tpu.memory_space<hbm>>
        %dma_start3A_51 = arith.constant 0 : i32
        %dma_start3A_52 = tpu.memref_slice %arg6[%add3A_20, %dma_start3A_51] : memref<51200x1000xf32, #tpu.memory_space<hbm>> -> memref<32x1000xf32, #tpu.memory_space<hbm>>
        tpu.enqueue_dma source(%arg11 : memref<32x1000xf32, #tpu.memory_space<vmem>>) target(%dma_start3A_52 : memref<32x1000xf32, #tpu.memory_space<hbm>>) target_semaphore(%run_scoped3A : memref<!tpu.dma_semaphore, #tpu.memory_space<semaphore_mem>>)
        %dma_wait3A_53 = arith.constant 0 : i32
        %dma_wait3A_54 = tpu.memref_slice %arg6[%add3A_20, %dma_wait3A_53] : memref<51200x1000xf32, #tpu.memory_space<hbm>> -> memref<32x1000xf32, #tpu.memory_space<hbm>>
        %dma_wait3A_55 = arith.constant 0 : i32
        %dma_wait3A_56 = tpu.memref_slice %arg6[%add3A_20, %dma_wait3A_55] : memref<51200x1000xf32, #tpu.memory_space<hbm>> -> memref<32x1000xf32, #tpu.memory_space<hbm>>
        tpu.wait_dma2 semaphore(%run_scoped3A : memref<!tpu.dma_semaphore, #tpu.memory_space<semaphore_mem>>) src(%arg11 : memref<32x1000xf32, #tpu.memory_space<vmem>>) dst(%dma_wait3A_56 : memref<32x1000xf32, #tpu.memory_space<hbm>>)
        tpu.yield
      }) : () -> ()
      %iota3A = tpu.iota {dimensions = array<i32: 0>} : vector<16xi32>
      %add3A_21 = arith.constant 0 : i32
      %add3A_22 = vector.broadcast %add3A_21 : i32 to vector<16xi32>
      %add3A_23 = arith.addi %iota3A, %add3A_22 : vector<16xi32>
      %add3A_24 = arith.constant 0 : i32
      %add3A_25 = arith.addi %mul3A_13, %add3A_24 : i32
      %get3A = arith.index_cast %add3A_25 : i32 to index
      %get3A_26 = tpu.vector_load %arg9[%get3A] {strides = array<i32>} : memref<1600xi32, #tpu.memory_space<vmem>>, vector<16xi32>,
      %add3A_27 = arith.constant 0 : i32
      %add3A_28 = arith.addi %mul3A_13, %add3A_27 : i32
      %get3A_29 = arith.index_cast %add3A_28 : i32 to index
      %get3A_30 = tpu.vector_load %arg8[%get3A_29] {strides = array<i32>} : memref<1600xi32, #tpu.memory_space<vmem>>, vector<16xi32>,
      %gather3A = tpu.vector_load_idx %arg11[%add3A_23, %get3A_26] : memref<32x1000xf32, #tpu.memory_space<vmem>>[vector<16xi32>, vector<16xi32>], vector<16xf32>,
      %gather3A_31 = tpu.vector_load_idx %arg10[%get3A_30] : memref<1024xf32, #tpu.memory_space<vmem>>[vector<16xi32>], vector<16xf32>,
      %sub3A = arith.subf %gather3A_31, %gather3A : vector<16xf32>
      %add3A_32 = arith.addf %scan3A_11, %sub3A : vector<16xf32>
      %iota3A_33 = tpu.iota {dimensions = array<i32: 0>} : vector<16xi32>
      %add3A_34 = arith.constant 16 : i32
      %add3A_35 = vector.broadcast %add3A_34 : i32 to vector<16xi32>
      %add3A_36 = arith.addi %iota3A_33, %add3A_35 : vector<16xi32>
      %add3A_37 = arith.constant 16 : i32
      %add3A_38 = arith.addi %mul3A_13, %add3A_37 : i32
      %get3A_39 = arith.index_cast %add3A_38 : i32 to index
      %get3A_40 = tpu.vector_load %arg9[%get3A_39] {strides = array<i32>} : memref<1600xi32, #tpu.memory_space<vmem>>, vector<16xi32>,
      %add3A_41 = arith.constant 16 : i32
      %add3A_42 = arith.addi %mul3A_13, %add3A_41 : i32
      %get3A_43 = arith.index_cast %add3A_42 : i32 to index
      %get3A_44 = tpu.vector_load %arg8[%get3A_43] {strides = array<i32>} : memref<1600xi32, #tpu.memory_space<vmem>>, vector<16xi32>,
      %gather3A_45 = tpu.vector_load_idx %arg11[%add3A_36, %get3A_40] : memref<32x1000xf32, #tpu.memory_space<vmem>>[vector<16xi32>, vector<16xi32>], vector<16xf32>,
      %gather3A_46 = tpu.vector_load_idx %arg10[%get3A_44] : memref<1024xf32, #tpu.memory_space<vmem>>[vector<16xi32>], vector<16xf32>,
      %sub3A_47 = arith.subf %gather3A_46, %gather3A_45 : vector<16xf32>
      %add3A_48 = arith.addf %add3A_32, %sub3A_47 : vector<16xf32>
      scf.yield %add3A_48 : vector<16xf32>
    }
    %scan3A_8 = arith.constant 50 : i32
    %swap3A = arith.constant 0 : index
    %swap3A_9 = tpu.vector_load %arg12[%swap3A] {strides = array<i32>} : memref<16xf32, #tpu.memory_space<vmem>>, vector<16xf32>,
    tpu.vector_store %arg12[%swap3A], %scan3A_7 {strides = array<i32>} : memref<16xf32, #tpu.memory_space<vmem>>, vector<16xf32>,
    "tpu.region"() ({
      %run_scoped3A = tpu.sem_alloc : memref<!tpu.dma_semaphore, #tpu.memory_space<semaphore_mem>>
      %dma_start3A = arith.constant 0 : i32
      %dma_start3A_10 = tpu.memref_slice %arg7[%add3A, %dma_start3A] : memref<32x16xf32, #tpu.memory_space<hbm>> -> memref<1x16xf32, #tpu.memory_space<hbm>>
      %dma_start3A_11 = tpu.memref_squeeze %dma_start3A_10 : memref<1x16xf32, #tpu.memory_space<hbm>> -> memref<16xf32, #tpu.memory_space<hbm>>
      %dma_start3A_12 = arith.constant 0 : i32
      %dma_start3A_13 = tpu.memref_slice %arg7[%add3A, %dma_start3A_12] : memref<32x16xf32, #tpu.memory_space<hbm>> -> memref<1x16xf32, #tpu.memory_space<hbm>>
      %dma_start3A_14 = tpu.memref_squeeze %dma_start3A_13 : memref<1x16xf32, #tpu.memory_space<hbm>> -> memref<16xf32, #tpu.memory_space<hbm>>
      tpu.enqueue_dma source(%arg12 : memref<16xf32, #tpu.memory_space<vmem>>) target(%dma_start3A_14 : memref<16xf32, #tpu.memory_space<hbm>>) target_semaphore(%run_scoped3A : memref<!tpu.dma_semaphore, #tpu.memory_space<semaphore_mem>>)
      %dma_wait3A = arith.constant 0 : i32
      %dma_wait3A_15 = tpu.memref_slice %arg7[%add3A, %dma_wait3A] : memref<32x16xf32, #tpu.memory_space<hbm>> -> memref<1x16xf32, #tpu.memory_space<hbm>>
      %dma_wait3A_16 = tpu.memref_squeeze %dma_wait3A_15 : memref<1x16xf32, #tpu.memory_space<hbm>> -> memref<16xf32, #tpu.memory_space<hbm>>
      %dma_wait3A_17 = arith.constant 0 : i32
      %dma_wait3A_18 = tpu.memref_slice %arg7[%add3A, %dma_wait3A_17] : memref<32x16xf32, #tpu.memory_space<hbm>> -> memref<1x16xf32, #tpu.memory_space<hbm>>
      %dma_wait3A_19 = tpu.memref_squeeze %dma_wait3A_18 : memref<1x16xf32, #tpu.memory_space<hbm>> -> memref<16xf32, #tpu.memory_space<hbm>>
      tpu.wait_dma2 semaphore(%run_scoped3A : memref<!tpu.dma_semaphore, #tpu.memory_space<semaphore_mem>>) src(%arg12 : memref<16xf32, #tpu.memory_space<vmem>>) dst(%dma_wait3A_19 : memref<16xf32, #tpu.memory_space<hbm>>)
      tpu.yield
    }) : () -> ()
    return
  }
}

</mosaic_0001>

<sc_bundles>
// kernel: _sc_gather_loss.3.cloned.1.call-start
scs
__scs_entry_jumppad:
0x0: {  	(pc) =	sbr.rel $0x88, $3  }
0x1: {  	(tag) =	ssettag $0x0;
	lr =	simm.s32 $0x1  }
0x2: {  	[smem:$0x3F9D] =	sst lr;
	_ =	strace $0xD0000000  }
0x3: {  	_ = 	snop  }
0x4: {  	_ = 	snop  }
0x5: {  	_ = 	snop  }
0x6: {  	_ = 	snop  }
0x7: {  	_ = 	snop  }
__scs_overlays_trampoline_lowered:
0x8: {  	[smem:$0x3FAC] =	sst s0  }
0x9: {  	[smem:$0x3FAD] =	sst s1  }
0xa: {  	[smem:$0x3FAE] =	sst s2  }
0xb: {  	[smem:$0x3FAF] =	sst s3  }
0xc: {  	[smem:$0x3FB0] =	sst s4  }
0xd: {  	[smem:$0x3FB1] =	sst s5  }
0xe: {  	[smem:$0x3FB2] =	sst s6  }
0xf: {  	[smem:$0x3FB3] =	sst s7  }
0x10: {  	[smem:$0x3FB4] =	sst s8  }
0x11: {  	[smem:$0x3FB5] =	sst s9;
	s0 =	simm.s32 @!p0 $0x0  }
0x12: {  	s1 =	sld [smem:$0x3F9B];
	s0 =	simm.s32 @p0 $0x1  }
0x13: {  	[smem:$0x3FB6] =	sst s0;
	s0 =	simm.s32 @!p1 $0x0  }
0x14: {  	s2 =	sld [smem:$0x3F9A];
	s0 =	simm.s32 @p1 $0x1  }
0x15: {  	[smem:$0x3FB7] =	sst s0;
	s0 =	simm.s32 @!p2 $0x0  }
0x16: {  	s3 =	sld [smem:$0x3FDB];
	s0 =	simm.s32 @p2 $0x1  }
0x17: {  	s4 =	simm.s32 $0x1BF5;
	[smem:$0x3FB9] =	sst s0  }
0x18: {  	s0 =	sld [smem:$0x3F9C];
	_ =	swait.ge [sflag:s4], $0x0  }
0x19: {  	s7 =	sld [smem:$0x3F9D]  }
0x1a: {  	s8 =	sadd.s32 $0xFFFFE003, lr  }
0x1b: {  	s9 =	sadd.s32 $0xFFFFFEF7, lr;
	s5 =	simm.s32 $0xFFFFFFFF;
	p2 =	slt.u32 s8, $0xFFFFF086  }
0x1c: {  	p1 =	slt.u32 s9, $0xF7A;
	s5 =	simm.s32 @!p2 $0x0  }
0x1d: {  	s5 =	simm.s32 @p1 $0x1;
	p0 =	seq.s32 s7, s2  }
0x1e: {  	s7 =	smul.u32 @!p0 $0xF7A, s2;
	p2 =	seq.s32 @!p0 s5, $0x0  }
0x1f: {  	s9 =	smul.u32 $0xF7A, s1;
	s8 =	simm.s32 @!p0 $0x1BF5;
	p2 =	por !p2, p0  }
0x20: {  	[sflag:s8] =	ssyncset.s32 @!p0 $0xFFFFF086;
	s6 =	sadd.s32 @!p0 s3, s7;
	s7 =	simm.s32 @!p0 $0x108  }
0x21: {  	s3 =	sadd.s32 s3, s9;
	s6 =	sadd.s32 @!p0 $0x88, s6;
	s7 =	simm.s32 @p2 $0x1082  }
0x22: {  	[simem:s7], [sflag:s8] =	dma.local @!p0 [hbm:s6], $0xF7A  }
0x23: {  	s9 =	sor.u32 $0xD0000000, s2;
	s6 =	simm.s32 $0x108;
	_ =	swait.ge @!p0 [sflag:s8], $0x0  }
0x24: {  	s3 =	sadd.s32 $0x88, s3;
	s6 =	simm.s32 @!p1 $0x1082;
	[sflag:s4] =	ssyncset.s32 $0xFFFFF086  }
0x25: {  	[simem:s6], [sflag:s4] =	dma.local [hbm:s3], $0xF7A  }
0x26: {  	[smem:$0x3F9D] =	sst s1;
	(tag) =	ssettag s2;
	_ =	strace s9  }
0x27: {  	s1 =	sld [smem:$0x3FAD]  }
0x28: {  	s2 =	sld [smem:$0x3FAE]  }
0x29: {  	s4 =	sld [smem:$0x3FB0]  }
0x2a: {  	p0 =	seq.s32 s5, $0x0;
	s5 =	sld [smem:$0x3FB1]  }
0x2b: {  	s6 =	sld [smem:$0x3FB2]  }
0x2c: {  	s7 =	sld [smem:$0x3FB3]  }
0x2d: {  	s3 =	simm.s32 $0x108;
	s8 =	sld [smem:$0x3FB4]  }
0x2e: {  	s3 =	simm.s32 @!p0 $0x1082;
	s9 =	sld [smem:$0x3FB5]  }
0x2f: {  	lr =	sadd.s32 s0, s3;
	s0 =	sld [smem:$0x3FAC]  }
0x30: {  	s3 =	sld [smem:$0x3FAF]  }
0x31: {  	[smem:$0x3FB8] =	sst s10  }
0x32: {  	s10 =	sld [smem:$0x3FB6];
	_ =	sdelay $0x3  }
0x33: {  	p0 =	seq.s32 s10, $0x1;
	s10 =	sld [smem:$0x3FB8];
	_ =	sdelay $0x3  }
0x34: {  	[smem:$0x3FB8] =	sst s10  }
0x35: {  	s10 =	sld [smem:$0x3FB7];
	_ =	sdelay $0x3  }
0x36: {  	p1 =	seq.s32 s10, $0x1;
	s10 =	sld [smem:$0x3FB8];
	_ =	sdelay $0x3  }
0x37: {  	[smem:$0x3FB8] =	sst s10  }
0x38: {  	s10 =	sld [smem:$0x3FB9]  }
0x39: {  	_ = 	snop;
	(pc) =	sbr.ind lr, $3  }
0x3a: {  	_ = 	snop  }
0x3b: {  	_ = 	snop  }
0x3c: {  	p2 =	seq.s32 s10, $0x1;
	s10 =	sld [smem:$0x3FB8]  }
0x3d: {  	_ =	shalt  }
0x3e: {  	_ =	shalt  }
0x3f: {  	_ =	shalt  }
0x40: {  	_ =	shalt  }
0x41: {  	_ =	shalt  }
0x42: {  	_ =	shalt  }
0x43: {  	_ =	shalt  }
0x44: {  	_ =	shalt  }
0x45: {  	_ =	shalt  }
0x46: {  	_ =	shalt  }
0x47: {  	_ =	shalt  }
0x48: {  	_ =	shalt  }
0x49: {  	_ =	shalt  }
0x4a: {  	_ =	shalt  }
0x4b: {  	_ =	shalt  }
0x4c: {  	_ =	shalt  }
0x4d: {  	_ =	shalt  }
0x4e: {  	_ =	shalt  }
0x4f: {  	_ =	shalt  }
0x50: {  	_ =	shalt  }
0x51: {  	_ =	shalt  }
0x52: {  	_ =	shalt  }
0x53: {  	_ =	shalt  }
0x54: {  	_ =	shalt  }
0x55: {  	_ =	shalt  }
0x56: {  	_ =	shalt  }
0x57: {  	_ =	shalt  }
0x58: {  	_ =	shalt  }
0x59: {  	_ =	shalt  }
0x5a: {  	_ =	shalt  }
0x5b: {  	_ =	shalt  }
0x5c: {  	_ =	shalt  }
0x5d: {  	_ =	shalt  }
0x5e: {  	_ =	shalt  }
0x5f: {  	_ =	shalt  }
0x60: {  	_ =	shalt  }
0x61: {  	_ =	shalt  }
0x62: {  	_ =	shalt  }
0x63: {  	_ =	shalt  }
0x64: {  	_ =	shalt  }
0x65: {  	_ =	shalt  }
0x66: {  	_ =	shalt  }
0x67: {  	_ =	shalt  }
0x68: {  	_ =	shalt  }
0x69: {  	_ =	shalt  }
0x6a: {  	_ =	shalt  }
0x6b: {  	_ =	shalt  }
0x6c: {  	_ =	shalt  }
0x6d: {  	_ =	shalt  }
0x6e: {  	_ =	shalt  }
0x6f: {  	_ =	shalt  }
0x70: {  	_ =	shalt  }
0x71: {  	_ =	shalt  }
0x72: {  	_ =	shalt  }
0x73: {  	_ =	shalt  }
0x74: {  	_ =	shalt  }
0x75: {  	_ =	shalt  }
0x76: {  	_ =	shalt  }
0x77: {  	_ =	shalt  }
0x78: {  	_ =	shalt  }
0x79: {  	_ =	shalt  }
0x7a: {  	_ =	shalt  }
0x7b: {  	_ =	shalt  }
0x7c: {  	_ =	shalt  }
0x7d: {  	_ =	shalt  }
0x7e: {  	_ =	shalt  }
0x7f: {  	_ =	shalt  }
0x80: {  	_ =	shalt  }
0x81: {  	_ =	shalt  }
0x82: {  	_ =	shalt  }
0x83: {  	_ =	shalt  }
0x84: {  	_ =	shalt  }
0x85: {  	_ =	shalt  }
0x86: {  	_ =	shalt  }
0x87: {  	_ =	shalt  }
.Lfunc_end0:
.L_simem_size_0:
called_computation.1_lowered:
.L_overlay_start_0:
0x88: {  	s2 =	sld [smem:$0x3FD9]  }
0x89: {  	s3 =	sld [smem:$0x3FFE];
	_ =	sdelay $0x1  }
0x8a: {  	s1 =	srdreg.scid  }
0x8b: {  	s0 =	sand.u32 $0x1, s1  }
0x8c: {  	s14 =	sshll.u32 s0, $0xA;
	s2 =	sadd.s32 s3, s2  }
0x8d: {  	s2 =	sadd.s32 s2, s14  }
0x8e: {  	[smem:$0x3FC4] =	sst s2  }
0x8f: {  	_ = 	snop  }
0x90: {  	s2 =	sld [smem:$0x3FD0]  }
0x91: {  	s15 =	sld [smem:$0x3FC8]  }
0x92: {  	s4 =	sld [smem:$0x3FC7]  }
0x93: {  	s6 =	simm.s32 $0xA;
	s7 =	simm.s32 $0x10;
	s5 =	sld [smem:$0x3FC6]  }
0x94: {  	[smem:s7], [sflag:s6] =	dma.local [hbm:s2], $0x1  }
0x95: {  	_ =	swait.eq [sflag:s6], $0x1  }
0x96: {  	[sflag:s6] =	ssyncset.done $0x0  }
0x97: {  	s16 =	sld [smem:$0x10];
	[sflag:s6] =	ssyncadd.s32 $0xFFFFFFFF  }
0x98: {  	s17 =	sld [smem:$0x11];
	(tm) =	ssettm $0x1  }
0x99: {  	s18 =	sld [smem:$0x3FFB];
	_ =	sdelay $0x3  }
0x9a: {  	_ =	strace s18  }
0x9b: {  	s7 =	sld [smem:$0x3FFC];
	_ =	sdelay $0x3  }
0x9c: {  	_ =	strace s7  }
0x9d: {  	s7 =	sld [smem:$0x3FFD];
	_ =	sdelay $0x3  }
0x9e: {  	_ =	strace s7  }
0x9f: {  	_ =	strace $0x8FFFFFFF  }
0xa0: {  	s19 =	sld [smem:$0x3FDB];
	_ =	sdelay $0x1  }
0xa1: {  	s8 =	simm.s32 $_scs_section_size  }
0xa2: {  	s9 =	simm.s32 $_size__tile_overlayer_lowered;
	s10 =	simm.s32 $_tile_overlayer_lowered  }
0xa3: {  	s22 =	simm.s32 $0x1BFF;
	s21 =	sshll.u32 s10, $0x1;
	s7 =	sadd.s32 s8, s19  }
0xa4: {  	s11 =	simm.s32 $0x0;
	s20 =	sshll.u32 s9, $0x1;
	s9 =	sadd.s32 s21, s7  }
0xa5: {  	[timem:s11], [sflag:s22] =	dma.local [hbm:s9], s20  }
0xa6: {  	_ =	swait.ge [sflag:s22], s20  }
0xa7: {  	s8 =	ssub.s32 $0x0, s20;
	[sflag:s22] =	ssyncset.done $0x0  }
0xa8: {  	[sflag:s22] =	ssyncadd.s32 s8;
	_ =	sdelay $0x1  }
0xa9: {  	s23 =	simm.s32 $0x1B8B  }
0xaa: {  	_ =	swait.ge [sflag:s23], $0x1  }
0xab: {  	[sflag:s23] =	ssyncset.done $0x0  }
0xac: {  	s25 =	simm.s32 $0x1B8E;
	s24 =	sld [smem:$0x3FFE];
	[sflag:s23] =	ssyncadd.s32 $0xFFFFFFFF  }
0xad: {  	s26 =	simm.s32 $execute0_lowered;
	[smem:$0x3FD2] =	sst s25  }
0xae: {  	s9 =	sshll.u32 s26, $0x1;
	_ =	strace $0x80000046;
	[dreg:$0x1] =	wrdreg $0xFFFFFFFF  }
0xaf: {  	s28 =	simm.s32 $_size_execute0_lowered;
	s7 =	sadd.s32 s7, s9;
	[dreg:$0x0] =	wrdreg $0x0  }
0xb0: {  	s9 =	sshll.u32 s28, $0x1;
	[dreg:$0x2] =	wrdreg s7  }
0xb1: {  	[dreg:$0x3] =	wrdreg s9  }
0xb2: {  	[dreg:$0x4] =	wrdreg $0xC0  }
0xb3: {  	_ =	task [dreg:s11], $0x5FFFF  }
0xb4: {  	[dreg:$0x1] =	wrdreg $0xFFFFFFFF  }
0xb5: {  	[dreg:$0x0] =	wrdreg $0x60  }
0xb6: {  	[dreg:$0x2] =	wrdreg s24  }
0xb7: {  	[dreg:$0x3] =	wrdreg s15  }
0xb8: {  	[dreg:$0x4] =	wrdreg s4  }
0xb9: {  	[dreg:$0x5] =	wrdreg s5  }
0xba: {  	[dreg:$0x6] =	wrdreg s16  }
0xbb: {  	[dreg:$0x7] =	wrdreg s17  }
0xbc: {  	[dreg:$0x8] =	wrdreg $0x9  }
0xbd: {  	_ =	task.clear_ibuf [dreg:s11], $0x9FFFF;
	_ =	strace $0x90000046  }
0xbe: {  	s29 =	simm.s32 $0x9;
	_ =	strace $0x80000048  }
0xbf: {  	_ =	swait.ge [sflag:s29], $0x1  }
0xc0: {  	[sflag:s29] =	ssyncadd.s32 $0xFFFFFFFF  }
0xc1: {  	_ =	strace $0x90000048  }
0xc2: {  	_ =	sfence  }
0xc3: {  	s30 =	sld [smem:$0x0];
	_ =	sdelay $0x2  }
0xc4: {  	s31 =	sshll.u32 s1, $0xD;
	s1 =	sshrl.u32 s1, $0x2  }
0xc5: {  	s3 =	sand.u32 $0x4000, s31;
	s1 =	sadd.s32 s1, s30  }
0xc6: {  	s0 =	sor.u32 s3, s0;
	s1 =	sshll.u32 s1, $0x11  }
0xc7: {  	s0 =	sor.u32 s1, s0  }
0xc8: {  	s0 =	sadd.s32 $0x8F2B, s0  }
0xc9: {  	[sflag:s0] =	ssyncadd.remote.s32 $0x1  }
0xca: {  	_ =	sfence.sel $0xFFFF  }
0xcb: {  	[dreg:$0x0] =	wrdreg $0xFFFFFFFF;
	(pc) =	sbr.abs _section_cstart, $3  }
0xcc: {  	[dreg:$0x1] =	wrdreg $0xFFFFFFFF  }
0xcd: {  	_ =	task.clear_ibuf [dreg:s11], $0x2FFFF;
	_ =	strace $0x9FFFFFFF  }
0xce: {  	(tm) =	ssettm $0x7FFFFFFF  }
0xcf: {  	_ =	shalt  }
tec
execute0_lowered:
.L_overlay_start_1:
0x0: {  	(tag) =	ssettag $0x1  }
0x1: {  	s4 =	rddreg [dreg:$0x0]  }
0x2: {  	s5 =	rddreg [dreg:$0x1]  }
0x3: {  	s6 =	rddreg [dreg:$0x2]  }
0x4: {  	s1 =	rddreg [dreg:$0x3]  }
0x5: {  	s9 =	rddreg [dreg:$0x4];
	s2 =	srdreg.scid  }
0x6: {  	s0 =	stileid.u32;
	s7 =	rddreg [dreg:$0x5]  }
0x7: {  	s3 =	simm.s32 $0x0;
	s14 =	simm.s32 $0x1080;
	s15 =	simm.s32 $0x1  }
0x8: {  	s16 =	simm.s32 $0x8D80;
	s8 =	sand.u32 $0x1, s2;
	s2 =	rddreg [dreg:$0x6]  }
0x9: {  	s17 =	simm.s32 $0x0;
	s10 =	sshll.u32 s0, $0x1;
	[smem:$0x7FF] =	sst s3  }
0xa: {  	s4 =	sadd.s32 $0xE00, s4;
	s30 =	smul.u32 $0x61A80, s0;
	s10 =	sor.u32 s8, s10  }
0xb: {  	_ =	strace $0x80000047;
	s12 =	ssub.s32 $0x2, s8;
	s31 =	smul.u32 $0x30D40, s8  }
0xc: {  	s11 =	smul.u32 $0x640, s10;
	s13 =	sshrl.u32 s12, $0x1;
	s10 =	sshll.u32 s10, $0x1  }
0xd: {  	v0 =	vlaneseq.u32;
	s9 =	sadd.s32 s30, s9;
	s12 =	ssub.s32 s12, s13;
	s7 =	sadd.s32 s7, s10  }
0xe: {  	v0 =	vmul.u32 $0x3E8, v0;
	s9 =	sadd.s32 s31, s9;
	s10 =	simm.s32 $0x2;
	s13 =	simm.s32 $0x20  }
0xf: {  	s11 =	sshrl.u32 s11, $0x3;
	s8 =	smax.u32 s12, $0x1;
	s12 =	simm.s32 $0xC80  }
0x10: {  	v1 =	vadd.s32 $0x3E80, v0;
	s5 =	sadd.s32 s5, s11;
	s6 =	sadd.s32 s6, s11;
	s11 =	simm.s32 $0x640  }
.LBB2_1:
0x11: {  	[tilespmem:s3], [sflag:$0x2] =	stream.linear.gather [hbm4b:s5+s3], $0x640, $0x38;
	[tilespmem:$0x8D90] =	vst v63  }
0x12: {  	_ =	swait.ge [sflag:s10], $0x640  }
0x13: {  	[sflag:s10] =	ssyncset.done $0x0  }
0x14: {  	[sflag:s10] =	ssyncadd.s32 $0xFFFFF9C0  }
0x15: {  	[tilespmem:s11], [sflag:$0x2] =	stream.linear.gather [hbm4b:s6+s3], $0x640, $0x38;
	[tilespmem:$0x8D90] =	vst v63  }
0x16: {  	_ =	swait.ge [sflag:s10], $0x640  }
0x17: {  	[sflag:s10] =	ssyncset.done $0x0  }
0x18: {  	[sflag:s10] =	ssyncadd.s32 $0xFFFFF9C0  }
0x19: {  	[tilespmem:s12], [sflag:$0x2] =	stream.linear.gather [hbm4b:s1+s3], $0x400, $0x38;
	[tilespmem:$0x8D90] =	vst v63  }
0x1a: {  	_ =	swait.ge [sflag:s10], $0x400  }
0x1b: {  	[sflag:s10] =	ssyncset.done $0x0  }
0x1c: {  	s18 =	simm.s32 $0x0;
	[sflag:s10] =	ssyncadd.s32 $0xFFFFFC00  }
0x1d: {  	[tilespmem:s14], [sflag:$0x1] =	stream.indirect.gather [hbm4b:s4+s13], $0x3E8, s18, s13, $0xb8;
	[tilespmem:$0x8D90] =	vst v63  }
0x1e: {  	_ =	swait.ge [sflag:s15], $0x7D00  }
0x1f: {  	[sflag:s15] =	ssyncset.done $0x0  }
0x20: {  	[sflag:s15] =	ssyncadd.s32 $0xFFFF8300  }
0x21: {  	[hbm4b:s9+s3] =	stream.linear.scatter [tilespmem:s14], [sflag:$0x2], $0x7D00, $0x38;
	[tilespmem:$0x8D90] =	vst v63  }
0x22: {  	_ =	swait.ge [sflag:s10], $0x7D00  }
0x23: {  	[sflag:s10] =	ssyncset.done $0x0  }
0x24: {  	[sflag:s10] =	ssyncadd.s32 $0xFFFF8300  }
0x25: {  	v2 =	vld [tilespmem:s18+$0x640]  }
0x26: {  	v3 =	vld [tilespmem:s18+$0x0]  }
0x27: {  	v4 =	vld [tilespmem:s18+$0x650]  }
0x28: {  	v5 =	vld [tilespmem:s18+$0x10];
	_ =	sdelay $0x3  }
0x29: {  	v2 =	vadd.s32 v0, v2  }
0x2a: {  	v4 =	vadd.s32 v1, v4;
	_ =	sdelay $0x1  }
0x2b: {  	v3 =	vld.idx.msk [tilespmem:v3+s12+$0x0], $0xffff  }
0x2c: {  	v5 =	vld.idx.msk [tilespmem:v5+s12+$0x0], $0xffff  }
0x2d: {  	s19 =	simm.s32 $0x20;
	v2 =	vld.idx.msk [tilespmem:v2+s14+$0x0], $0xffff  }
0x2e: {  	v4 =	vld.idx.msk [tilespmem:v4+s14+$0x0], $0xffff;
	[tilespmem:s14], [sflag:$0x1] =	stream.indirect.gather [hbm4b:s4+s13], $0x3E8, s19, s13, $0xb8  }
0x2f: {  	_ =	swait.ge [sflag:s15], $0x7D00  }
0x30: {  	[sflag:s15] =	ssyncset.done $0x0  }
0x31: {  	s18 =	sadd.s32 $0xFA0, s9;
	[sflag:s15] =	ssyncadd.s32 $0xFFFF8300  }
0x32: {  	[hbm4b:s18+s3] =	stream.linear.scatter [tilespmem:s14], [sflag:$0x2], $0x7D00, $0x38;
	v2 =	vsub.f32 v3, v2;
	[tilespmem:$0x8D90] =	vst v63  }
0x33: {  	v3 =	vimm.f32 $0.0e+00;
	_ =	swait.ge [sflag:s10], $0x7D00  }
0x34: {  	s20 =	simm.s32 $0x100;
	[sflag:s10] =	ssyncset.done $0x0;
	v2 =	vadd.f32 v2, v3;
	v3 =	vsub.f32 v5, v4  }
.LBB2_2:
0x35: {  	p0 =	sne.s32 s20, $0x1880  }
0x36: {  	[sflag:s10] =	ssyncadd.s32 $0xFFFF8300;
	v2 =	vadd.f32 v3, v2;
	s21 =	smov.u32 s20;
	s20 =	sadd.s32 $0x80, s20  }
0x37: {  	v3 =	vld [tilespmem:s19+$0x640]  }
0x38: {  	v4 =	vld [tilespmem:s19+$0x0]  }
0x39: {  	v5 =	vld [tilespmem:s19+$0x650]  }
0x3a: {  	v6 =	vld [tilespmem:s19+$0x10];
	_ =	sdelay $0x1  }
0x3b: {  	v3 =	vadd.s32 v0, v3;
	_ =	sdelay $0x1  }
0x3c: {  	v5 =	vadd.s32 v1, v5;
	_ =	sdelay $0x1  }
0x3d: {  	v4 =	vld.idx.msk [tilespmem:v4+s12+$0x0], $0xffff  }
0x3e: {  	v3 =	vld.idx.msk [tilespmem:v3+s14+$0x0], $0xffff  }
0x3f: {  	v6 =	vld.idx.msk [tilespmem:v6+s12+$0x0], $0xffff  }
0x40: {  	s19 =	sshra.s32 s21, $0x2;
	v5 =	vld.idx.msk [tilespmem:v5+s14+$0x0], $0xffff  }
0x41: {  	[tilespmem:s14], [sflag:$0x1] =	stream.indirect.gather [hbm4b:s4+s13], $0x3E8, s19, s13, $0xb8;
	[tilespmem:$0x8D90] =	vst v63  }
0x42: {  	_ =	swait.ge [sflag:s15], $0x7D00  }
.Ltmp0:
0x43: {  	[sflag:s15] =	ssyncset.done $0x0;
	(pc) =	sbr.rel @p0 .LBB2_2-.Ltmp0, $4  }
0x44: {  	s18 =	sadd.s32 $0xFA0, s18;
	v3 =	vsub.f32 v4, v3;
	[sflag:s15] =	ssyncadd.s32 $0xFFFF8300  }
0x45: {  	[hbm4b:s18+s3] =	stream.linear.scatter [tilespmem:s14], [sflag:$0x2], $0x7D00, $0x38;
	[tilespmem:$0x8D90] =	vst v63  }
0x46: {  	v2 =	vadd.f32 v3, v2;
	v3 =	vsub.f32 v6, v5;
	_ =	swait.ge [sflag:s10], $0x7D00  }
0x47: {  	[sflag:s10] =	ssyncset.done $0x0  }
0x48: {  	[sflag:s10] =	ssyncadd.s32 $0xFFFF8300  }
0x49: {  	v4 =	vld [tilespmem:s19+$0x640]  }
0x4a: {  	v5 =	vld [tilespmem:s19+$0x0]  }
0x4b: {  	v6 =	vld [tilespmem:s19+$0x650]  }
0x4c: {  	v7 =	vld [tilespmem:s19+$0x10];
	_ =	sdelay $0x1  }
0x4d: {  	v4 =	vadd.s32 v0, v4;
	_ =	sdelay $0x1  }
0x4e: {  	v6 =	vadd.s32 v1, v6;
	_ =	sdelay $0x1  }
0x4f: {  	v5 =	vld.idx.msk [tilespmem:v5+s12+$0x0], $0xffff  }
0x50: {  	v4 =	vld.idx.msk [tilespmem:v4+s14+$0x0], $0xffff  }
0x51: {  	v7 =	vld.idx.msk [tilespmem:v7+s12+$0x0], $0xffff  }
0x52: {  	v6 =	vld.idx.msk [tilespmem:v6+s14+$0x0], $0xffff;
	_ =	sdelay $0x2  }
0x53: {  	v2 =	vadd.f32 v3, v2;
	v3 =	vsub.f32 v5, v4;
	_ =	sdelay $0x1  }
0x54: {  	v2 =	vadd.f32 v3, v2;
	v3 =	vsub.f32 v7, v6;
	_ =	sdelay $0x1  }
0x55: {  	s17 =	sadd.s32 $0x1, s17;
	v2 =	vadd.f32 v3, v2  }
0x56: {  	p0 =	sne.s32 s17, s8  }
.Ltmp1:
0x57: {  	[tilespmem:$0x8D80] =	vst v2;
	(pc) =	sbr.rel @p0 .LBB2_1-.Ltmp1, $4  }
0x58: {  	[hbm4b:s7+s3] =	stream.linear.scatter [tilespmem:s16], [sflag:$0x2], $0x10, $0x38;
	[tilespmem:$0x8D90] =	vst v63  }
0x59: {  	_ =	swait.ge [sflag:s10], $0x10  }
0x5a: {  	[sflag:s10] =	ssyncset.done $0x0  }
0x5b: {  	[sflag:s10] =	ssyncadd.s32 $0xFFFFFFF0  }
0x5c: {  	_ =	sfence.sel $0x180000  }
0x5d: {  	[bflag:$0x0] =	sbarrier.arrive $0xFFFF  }
0x5e: {  	p0 =	sne.s32 s0, $0x0;
	_ =	strace $0x90000047  }
0x5f: {  	s0 =	sadd.s32 @!p0 $0x100000, s2;
	[bflag:$0x2] =	sbarrier.arrive $0xFFFF  }
0x60: {  	[sflag:s0] =	ssyncadd.tile.s32 @!p0 $0x1;
	_ =	shalt  }
.Lfunc_end2:
_tile_overlayer_lowered:
.L_overlay_start_2:
0x61: {  	(tag) =	ssettag $0x2  }
0x62: {  	s0 =	rddreg [dreg:$0x0];
	s2 =	stileid.u32  }
0x63: {  	s1 =	rddreg [dreg:$0x1];
	p0 =	sne.s32 s2, $0x0  }
0x64: {  	s3 =	rddreg [dreg:$0x2];
	[bflag:$0x3] =	sbarrier.arrive $0xFFFF;
	s2 =	simm.s32 @!p0 $0x1C02  }
0x65: {  	[timem:s3], [sflag:s2] =	dma.local @!p0 [hbm:s0], s1  }
0x66: {  	s0 =	simm.s32 @!p0 $0x2  }
0x67: {  	_ =	swait.ge @!p0 [sflag:s0], s1  }
0x68: {  	s1 =	ssub.s32 @!p0 $0x0, s1;
	[sflag:s0] =	ssyncset.done @!p0 $0x0  }
0x69: {  	[sflag:s0] =	ssyncadd.s32 @!p0 s1  }
0x6a: {  	[bflag:$0x3] =	sbarrier.arrive $0xFFFF  }
0x6b: {  	_ =	shalt  }

// kernel: sparse-core-data-format-call.cloned.1.call-start
scs
called_computation_lowered:
.L_overlay_start_0:
0x0: {  	s2 =	sld [smem:$0x3FD9]  }
0x1: {  	s3 =	sld [smem:$0x3FFE];
	_ =	sdelay $0x1  }
0x2: {  	s1 =	srdreg.scid  }
0x3: {  	s0 =	sand.u32 $0x1, s1  }
0x4: {  	s15 =	sshll.u32 s0, $0xA;
	s2 =	sadd.s32 s3, s2  }
0x5: {  	s2 =	sadd.s32 s2, s15  }
0x6: {  	[smem:$0x3FC4] =	sst s2  }
0x7: {  	_ = 	snop  }
0x8: {  	s2 =	sld [smem:$0x3FD0];
	_ =	sdelay $0x2  }
0x9: {  	s16 =	simm.s32 $0xA;
	s4 =	simm.s32 $0x10  }
0xa: {  	[smem:s4], [sflag:s16] =	dma.local [hbm:s2], $0x1  }
0xb: {  	_ =	swait.eq [sflag:s16], $0x1  }
0xc: {  	[sflag:s16] =	ssyncset.done $0x0  }
0xd: {  	[sflag:s16] =	ssyncadd.s32 $0xFFFFFFFF  }
0xe: {  	s17 =	sld [smem:$0x10];
	(tm) =	ssettm $0x1  }
0xf: {  	s18 =	sld [smem:$0x3FFB];
	_ =	sdelay $0x3  }
0x10: {  	_ =	strace s18  }
0x11: {  	s3 =	sld [smem:$0x3FFC];
	_ =	sdelay $0x3  }
0x12: {  	_ =	strace s3  }
0x13: {  	s3 =	sld [smem:$0x3FFD];
	_ =	sdelay $0x3  }
0x14: {  	_ =	strace s3  }
0x15: {  	_ =	strace $0x8FFFFFFF  }
0x16: {  	s19 =	sld [smem:$0x3FDB];
	_ =	sdelay $0x1  }
0x17: {  	s20 =	simm.s32 $_scs_section_size  }
0x18: {  	s5 =	simm.s32 $_size__tile_overlayer_lowered;
	s6 =	simm.s32 $_tile_overlayer_lowered  }
0x19: {  	s23 =	simm.s32 $0x1BFF;
	s22 =	sshll.u32 s6, $0x1;
	s3 =	sadd.s32 s20, s19  }
0x1a: {  	s7 =	simm.s32 $0x0;
	s21 =	sshll.u32 s5, $0x1;
	s5 =	sadd.s32 s22, s3  }
0x1b: {  	[timem:s7], [sflag:s23] =	dma.local [hbm:s5], s21  }
0x1c: {  	_ =	swait.ge [sflag:s23], s21  }
0x1d: {  	s4 =	ssub.s32 $0x0, s21;
	[sflag:s23] =	ssyncset.done $0x0  }
0x1e: {  	[sflag:s23] =	ssyncadd.s32 s4;
	_ =	sdelay $0x1  }
0x1f: {  	s24 =	simm.s32 $0x1B8B  }
0x20: {  	_ =	swait.ge [sflag:s24], $0x1  }
0x21: {  	[sflag:s24] =	ssyncset.done $0x0  }
0x22: {  	s26 =	simm.s32 $0x1B8E;
	s25 =	sld [smem:$0x3FFE];
	[sflag:s24] =	ssyncadd.s32 $0xFFFFFFFF  }
0x23: {  	s27 =	simm.s32 $execute0_lowered;
	[smem:$0x3FD2] =	sst s26  }
0x24: {  	s5 =	sshll.u32 s27, $0x1;
	_ =	strace $0x80000049;
	[dreg:$0x1] =	wrdreg $0xFFFFFFFF  }
0x25: {  	s28 =	simm.s32 $_size_execute0_lowered;
	s3 =	sadd.s32 s3, s5;
	[dreg:$0x0] =	wrdreg $0x0  }
0x26: {  	s5 =	sshll.u32 s28, $0x1;
	[dreg:$0x2] =	wrdreg s3  }
0x27: {  	[dreg:$0x3] =	wrdreg s5  }
0x28: {  	[dreg:$0x4] =	wrdreg $0xC0  }
0x29: {  	_ =	task [dreg:s7], $0x5FFFF  }
0x2a: {  	[dreg:$0x1] =	wrdreg $0xFFFFFFFF  }
0x2b: {  	[dreg:$0x0] =	wrdreg $0x60  }
0x2c: {  	[dreg:$0x2] =	wrdreg s25  }
0x2d: {  	[dreg:$0x3] =	wrdreg s17  }
0x2e: {  	[dreg:$0x4] =	wrdreg $0x9  }
0x2f: {  	_ =	task.clear_ibuf [dreg:s7], $0x5FFFF;
	_ =	strace $0x90000049  }
0x30: {  	s29 =	simm.s32 $0x9;
	_ =	strace $0x8000004B  }
0x31: {  	_ =	swait.ge [sflag:s29], $0x1  }
0x32: {  	[sflag:s29] =	ssyncadd.s32 $0xFFFFFFFF  }
0x33: {  	_ =	strace $0x9000004B  }
0x34: {  	_ =	sfence  }
0x35: {  	s30 =	sld [smem:$0x0];
	_ =	sdelay $0x2  }
0x36: {  	s31 =	sshll.u32 s1, $0xD;
	s1 =	sshrl.u32 s1, $0x2  }
0x37: {  	s3 =	sand.u32 $0x4000, s31;
	s1 =	sadd.s32 s1, s30  }
0x38: {  	s0 =	sor.u32 s3, s0;
	s1 =	sshll.u32 s1, $0x11  }
0x39: {  	s0 =	sor.u32 s1, s0  }
0x3a: {  	s0 =	sadd.s32 $0x8F2B, s0  }
0x3b: {  	[sflag:s0] =	ssyncadd.remote.s32 $0x1  }
0x3c: {  	_ =	sfence.sel $0xFFFF  }
0x3d: {  	[dreg:$0x0] =	wrdreg $0xFFFFFFFF;
	(pc) =	sbr.abs _section_cstart, $3  }
0x3e: {  	[dreg:$0x1] =	wrdreg $0xFFFFFFFF  }
0x3f: {  	_ =	task.clear_ibuf [dreg:s7], $0x2FFFF;
	_ =	strace $0x9FFFFFFF  }
0x40: {  	(tm) =	ssettm $0x7FFFFFFF  }
0x41: {  	_ =	shalt  }
tec
execute0_lowered:
.L_overlay_start_1:
0x0: {  	(tag) =	ssettag $0x1  }
0x1: {  	s4 =	rddreg [dreg:$0x0]  }
0x2: {  	s2 =	rddreg [dreg:$0x1];
	s1 =	stileid.u32  }
0x3: {  	s3 =	srdreg.scid;
	s0 =	rddreg [dreg:$0x2];
	_ =	strace $0x8000004A  }
0x4: {  	s10 =	simm.s32 $0x2;
	s14 =	simm.s32 $0x0;
	s16 =	simm.s32 $0x0  }
0x5: {  	s12 =	simm.s32 $0x0;
	s15 =	simm.s32 $0x0;
	s3 =	sshll.u32 s3, $0x4  }
0x6: {  	s5 =	sshll.u32 s1, $0x7;
	s4 =	sadd.s32 $0xE00, s4;
	s6 =	sand.u32 $0x10, s3  }
0x7: {  	s3 =	sand.u32 $0x180, s5;
	s5 =	simm.s32 $0x1;
	s8 =	sor.u32 s1, s6  }
0x8: {  	s31 =	ssub.s32 $0xC800, s3;
	[sflag:s5] =	ssyncpa.u1 $0x0;
	s13 =	smov.u32 s3  }
.Ltmp0:
0x9: {  	s7 =	sshll.u32 s8, $0x5;
	s9 =	sand.u32 $0x180, s31;
	(pc) =	sbr.rel .LBB1_1-.Ltmp0, $4  }
0xa: {  	s11 =	sshrl.u32 s31, $0x9;
	p0 =	sne.s32 s9, $0x0;
	s9 =	simm.s32 $0x1  }
0xb: {  	[sflag:s10] =	ssyncpa.u1 $0x0;
	s8 =	sshll.u32 s8, $0x8;
	s9 =	simm.s32 @!p0 $0x0  }
0xc: {  	s10 =	simm.s32 $0x64000;
	s6 =	sand.u32 $0x380, s7;
	s7 =	sadd.s32 s9, s11  }
0xd: {  	p0 =	por $0x0, $0x0;
	s11 =	simm.s32 $0x0;
	s9 =	sadd.s32 $0x1, s7  }
.LBB1_4:
0xe: {  	s22 =	sshrl.u32 s11, $0x3  }
0xf: {  	s23 =	sshll.u32 s12, $0x3;
	s24 =	sand.u32 $0x7F, s12;
	s22 =	smul.u32 $0x64000, s22  }
0x10: {  	v5 =	vld [tilespmem:s18+$0xFFFFFFD0];
	s21 =	sshra.s32 s21, $0x2;
	s25 =	sshra.s32 s12, $0x1F;
	s23 =	sand.u32 $0xFFFFFC00, s23  }
0x11: {  	[tilespmem:s20+$0x2040 ss:$0x81] =	vst.msk $0xffff, v4;
	v58 =	vld [tilespmem:s18+$0xFFFFFFE0];
	p1 =	sgt.s32 s12, $0xC780;
	s25 =	sand.u32 s25, s12;
	s22 =	sadd.s32 s23, s22  }
0x12: {  	[tilespmem:s20+$0x2850 ss:$0x81] =	vst.msk $0xffff, v3;
	v59 =	vld [tilespmem:s18+$0xFFFFFFF0];
	s23 =	sor.u32 s24, s22;
	s22 =	smulhi.u32 $0x51EB851F, s22;
	s24 =	smov.u32 s12  }
0x13: {  	[tilespmem:s20+$0x3060 ss:$0x81] =	vst.msk $0xffff, v2;
	v60 =	vld [tilespmem:s18+$0x0];
	s19 =	sadd.s32 s21, s19;
	s26 =	smulhi.u32 $0x51EB851F, s23;
	s24 =	simm.s32 @!p1 $0xC780  }
0x14: {  	[tilespmem:s20+$0x0 ss:$0x81] =	vst.msk $0xffff, v0;
	v61 =	vld [tilespmem:s18+$0x10];
	p1 =	sgt.s32 s11, $0x368;
	s28 =	sshrl.u32 s22, $0xE;
	s29 =	ssub.s32 s24, s25  }
0x15: {  	[tilespmem:s19+$0x3870 ss:$0x81] =	vst.msk $0xffff, v1;
	s30 =	sshrl.u32 s26, $0xE;
	s31 =	smulhi.u32 $0x418938, s28;
	s25 =	sadd.s32 $0xFFFF3880, s29  }
0x16: {  	v62 =	vld [tilespmem:s18+$0x20];
	[tilespmem:s19+$0x810 ss:$0x81] =	vst.msk $0xffff, v5;
	s22 =	smul.u32 $0xC800, s30;
	p2 =	sgt.s32 s25, $0x7F;
	s25 =	smov.u32 s11  }
0x17: {  	v63 =	vld [tilespmem:s18+$0xFFFFFFC0];
	[tilespmem:s19+$0x1020 ss:$0x81] =	vst.msk $0xffff, v58;
	s21 =	ssub.s32 $0xC800, s29;
	s25 =	simm.s32 @!p1 $0x368;
	s26 =	smul.u32 $0x3E8, s31  }
0x18: {  	[tilespmem:s19+$0x1830 ss:$0x81] =	vst.msk $0xffff, v59;
	s21 =	simm.s32 @p2 $0x0;
	s27 =	ssub.s32 $0x3E8, s25  }
0x19: {  	[tilespmem:s19+$0x2040 ss:$0x81] =	vst.msk $0xffff, v60;
	s22 =	ssub.s32 s23, s22;
	s18 =	ssub.s32 s28, s26;
	s28 =	smul.u32 s27, s21  }
0x1a: {  	[tilespmem:s19+$0x2850 ss:$0x81] =	vst.msk $0xffff, v61;
	s29 =	sshrl.u32 s22, $0x3;
	s22 =	sand.u32 $0x7, s22;
	s18 =	smul.u32 $0x1900, s18  }
0x1b: {  	[tilespmem:s19+$0x3060 ss:$0x81] =	vst.msk $0xffff, v62;
	s21 =	sadd.s32 s2, s29;
	s22 =	sshll.u32 s22, $0x12  }
0x1c: {  	[tilespmem:s19+$0x0 ss:$0x81] =	vst.msk $0xffff, v63;
	s30 =	sand.u32 $0x3FFFFFF8, s28;
	s31 =	sor.u32 $0x400, s22;
	s18 =	sadd.s32 s18, s21  }
0x1d: {  	[hbm4b:s18+s31] =	stream.strided.scatter [tilespmem:s17], [sflag:$0x2], s30, s10, s31, $0x20;
	[tilespmem:$0x10100] =	vst v63  }
.LBB1_5:
0x1e: {  	p1 =	slt.u32 s15, $0x2  }
0x1f: {  	p2 =	sgt.s32 @!p1 s16, $0xC780  }
0x20: {  	s17 =	smov.u32 s16;
	s18 =	sshra.s32 @!p1 s16, $0x1F;
	p2 =	por !p2, p1  }
0x21: {  	s16 =	sand.u32 @!p1 s18, s16;
	s17 =	simm.s32 @p2 $0xC780  }
0x22: {  	s16 =	ssub.s32 @!p1 s17, s16  }
0x23: {  	p2 =	sgt.s32 @!p1 s14, $0x368;
	s17 =	sadd.s32 @!p1 $0xFFFF3880, s16  }
0x24: {  	s18 =	sadd.s32 $0x200, s13;
	p2 =	por !p2, p1;
	p3 =	sgt.s32 @!p1 s17, $0x7F  }
0x25: {  	s14 =	simm.s32 @p2 $0x368;
	s16 =	ssub.s32 @!p1 $0xC800, s16;
	p2 =	por !p3, p1  }
0x26: {  	s14 =	ssub.s32 @!p1 $0x3E8, s14;
	s16 =	simm.s32 @!p2 $0x0;
	p2 =	sgt.s32 s18, $0xC7FF  }
0x27: {  	s14 =	smul.u32 @!p1 s14, s16;
	s18 =	smov.u32 @p2 s3;
	p2 =	sne.s32 s15, s9  }
.Ltmp1:
0x28: {  	s20 =	sadd.s32 $0x1, s15;
	p0 =	por !p0, !p0;
	(pc) =	sbr.rel @!p2 .LBB1_6-.Ltmp1, $4  }
0x29: {  	s17 =	simm.s32 @!p1 $0x2;
	s16 =	smov.u32 s12;
	s14 =	sand.u32 @!p1 $0x3FFFFFFF, s14  }
0x2a: {  	s12 =	smov.u32 s13;
	s15 =	smov.u32 s20;
	_ =	swait.ge @!p1 [sflag:s17], s14  }
0x2b: {  	s13 =	smov.u32 s18;
	s19 =	ssub.s32 @!p1 $0x0, s14;
	[sflag:s17] =	ssyncset.done @!p1 $0x0  }
0x2c: {  	s14 =	smov.u32 s11;
	s11 =	smov.u32 s6;
	[sflag:s17] =	ssyncadd.s32 @!p1 s19  }
.LBB1_1:
0x2d: {  	p1 =	sge.u32 s15, s7  }
0x2e: {  	s17 =	sshll.u32 @!p1 s13, $0xA  }
0x2f: {  	s17 =	sand.u32 @!p1 $0xFFFFE000, s17  }
0x30: {  	s17 =	sor.u32 @!p1 s8, s17  }
0x31: {  	s17 =	sshrl.u32 @!p1 s17, $0xA  }
0x32: {  	s18 =	smulhi.u32 @!p1 $0x28F5C3, s17;
	_ =	sdelay $0x1  }
0x33: {  	s18 =	sshrl.u32 @!p1 s18, $0x5  }
0x34: {  	s18 =	smul.u32 @!p1 $0xC800, s18  }
0x35: {  	s31 =	sadd.s32 $0xFFFFFFFF, s15;
	s19 =	sxor.u32 @!p1 $0xFFFFFFFF, s15;
	s20 =	sshll.u32 @!p1 s13, $0x4  }
0x36: {  	s19 =	sshll.u32 @!p1 s19, $0xE;
	s17 =	ssub.s32 @!p1 s17, s18;
	s18 =	sand.u32 @!p1 $0x70, s20  }
0x37: {  	s19 =	sand.u32 @!p1 $0x4000, s19;
	s17 =	sshll.u32 @!p1 s17, $0x7;
	s18 =	sadd.s32 @!p1 s4, s18  }
0x38: {  	s20 =	simm.s32 @!p1 $0x2000;
	s17 =	sadd.s32 @!p1 s17, s18;
	s18 =	simm.s32 @!p1 $0x400  }
0x39: {  	[tilespmem:s19], [sflag:$0x1] =	stream.strided.gather @!p1 [hbm4b:s17+s18], $0x4000, s20, s18, $0x38;
	[tilespmem:$0x10100] =	vst v63  }
0x3a: {  	p1 =	sge.u32 s31, s7  }
.Ltmp2:
0x3b: {  	_ = 	snop;
	(pc) =	sbr.rel @p1 .LBB1_5-.Ltmp2, $1  }
0x3c: {  	_ =	sdelay $0x3  }
0x3d: {  	s17 =	simm.s32 $0x1  }
0x3e: {  	_ =	swait.ge [sflag:s5], $0x4000;
	s17 =	simm.s32 @!p0 $0x0  }
0x3f: {  	[sflag:s5] =	ssyncset.done $0x0;
	s18 =	sshll.u32 s17, $0xE  }
0x40: {  	[sflag:s5] =	ssyncadd.s32 $0xFFFFC000;
	s18 =	sor.u32 $0x40, s18  }
0x41: {  	s17 =	smul.u32 $0x10200, s17;
	v0 =	vld [tilespmem:s18+$0x30]  }
0x42: {  	v1 =	vld [tilespmem:s18+$0xFFFFFFD0]  }
0x43: {  	s17 =	sshrl.u32 s17, $0x2;
	v5 =	vld [tilespmem:s18+$0xFFFFFFE0]  }
0x44: {  	v6 =	vld [tilespmem:s18+$0xFFFFFFF0];
	s19 =	sor.u32 $0x8000, s17  }
0x45: {  	s31 =	sand.u32 $0x1, s15;
	v4 =	vld [tilespmem:s18+$0x0];
	s20 =	sadd.s32 $0x0, s19  }
0x46: {  	v3 =	vld [tilespmem:s18+$0x10];
	s17 =	smul.u32 $0x10200, s31;
	[tilespmem:s20+$0x3870 ss:$0x81] =	vst.msk $0xffff, v0  }
0x47: {  	v2 =	vld [tilespmem:s18+$0x20];
	[tilespmem:s20+$0x810 ss:$0x81] =	vst.msk $0xffff, v1  }
0x48: {  	s17 =	sshrl.u32 s17, $0x2;
	v0 =	vld [tilespmem:s18+$0xFFFFFFC0];
	[tilespmem:s20+$0x1020 ss:$0x81] =	vst.msk $0xffff, v5;
	s18 =	sadd.s32 $0x80, s18  }
0x49: {  	s21 =	simm.s32 $0x4;
	s22 =	simm.s32 $0x8;
	s17 =	sor.u32 $0x8000, s17;
	[tilespmem:s20+$0x1830 ss:$0x81] =	vst.msk $0xffff, v6;
	v1 =	vld [tilespmem:s18+$0x30]  }
.LBB1_3:
0x4a: {  	p1 =	sne.s32 s22, $0x1FC;
	v5 =	vld [tilespmem:s18+$0xFFFFFFD0];
	[tilespmem:s20+$0x2040 ss:$0x81] =	vst.msk $0xffff, v4  }
0x4b: {  	v6 =	vld [tilespmem:s18+$0xFFFFFFE0];
	[tilespmem:s20+$0x2850 ss:$0x81] =	vst.msk $0xffff, v3  }
0x4c: {  	s23 =	sshra.s32 s21, $0x2;
	s21 =	smov.u32 s22;
	v7 =	vld [tilespmem:s18+$0xFFFFFFF0];
	[tilespmem:s20+$0x3060 ss:$0x81] =	vst.msk $0xffff, v2  }
.Ltmp3:
0x4d: {  	v4 =	vld [tilespmem:s18+$0x0];
	[tilespmem:s20+$0x0 ss:$0x81] =	vst.msk $0xffff, v0;
	s20 =	sadd.s32 s23, s19;
	(pc) =	sbr.rel @p1 .LBB1_3-.Ltmp3, $4  }
0x4e: {  	v3 =	vld [tilespmem:s18+$0x10];
	[tilespmem:s20+$0x3870 ss:$0x81] =	vst.msk $0xffff, v1  }
0x4f: {  	[tilespmem:s20+$0x810 ss:$0x81] =	vst.msk $0xffff, v5;
	v2 =	vld [tilespmem:s18+$0x20]  }
0x50: {  	v0 =	vld [tilespmem:s18+$0xFFFFFFC0];
	[tilespmem:s20+$0x1020 ss:$0x81] =	vst.msk $0xffff, v6;
	s18 =	sadd.s32 $0x80, s18  }
0x51: {  	s22 =	sadd.s32 $0x4, s22;
	v1 =	vld [tilespmem:s18+$0x30];
	[tilespmem:s20+$0x1830 ss:$0x81] =	vst.msk $0xffff, v7  }
.Ltmp4:
0x52: {  	_ = 	snop;
	(pc) =	sbr.rel .LBB1_4-.Ltmp4, $1  }
0x53: {  	_ =	sdelay $0x3  }
.LBB1_6:
0x54: {  	_ =	sfence.sel $0x180000  }
0x55: {  	s2 =	simm.s32 $0x1;
	[bflag:$0x0] =	sbarrier.arrive $0xFFFF  }
0x56: {  	s31 =	simm.s32 $0x2;
	[sflag:s2] =	ssyncpa.u1 $0x1  }
0x57: {  	[sflag:s31] =	ssyncpa.u1 $0x1  }
0x58: {  	p0 =	sne.s32 s1, $0x0;
	_ =	strace $0x9000004A  }
0x59: {  	s0 =	sadd.s32 @!p0 $0x100000, s0;
	[bflag:$0x2] =	sbarrier.arrive $0xFFFF  }
0x5a: {  	[sflag:s0] =	ssyncadd.tile.s32 @!p0 $0x1;
	_ =	shalt  }
.Lfunc_end1:
_tile_overlayer_lowered:
.L_overlay_start_2:
0x5b: {  	(tag) =	ssettag $0x2  }
0x5c: {  	s0 =	rddreg [dreg:$0x0];
	s2 =	stileid.u32  }
0x5d: {  	s1 =	rddreg [dreg:$0x1];
	p0 =	sne.s32 s2, $0x0  }
0x5e: {  	s3 =	rddreg [dreg:$0x2];
	[bflag:$0x3] =	sbarrier.arrive $0xFFFF;
	s2 =	simm.s32 @!p0 $0x1C01  }
0x5f: {  	[timem:s3], [sflag:s2] =	dma.local @!p0 [hbm:s0], s1  }
0x60: {  	s0 =	simm.s32 @!p0 $0x1  }
0x61: {  	_ =	swait.ge @!p0 [sflag:s0], s1  }
0x62: {  	s1 =	ssub.s32 @!p0 $0x0, s1;
	[sflag:s0] =	ssyncset.done @!p0 $0x0  }
0x63: {  	[sflag:s0] =	ssyncadd.s32 @!p0 s1  }
0x64: {  	[bflag:$0x3] =	sbarrier.arrive $0xFFFF  }
0x65: {  	_ =	shalt  }

</sc_bundles>
